<compile_context>
chip_gen: v7x
topology: tpu7x:2x2x1
jax: 0.10.2.dev20260603
libtpu: 0.0.44.dev20260713+nightly
codegen_flags: <defaults>
</compile_context>

<pallas_src>
import functools

import jax
import jax.numpy as jnp
from jax import lax
from jax.experimental import pallas as pl
from jax.experimental.pallas import tpu as pltpu
from jax.experimental.pallas import tpu_sc as plsc

_K = 8192
_C = 32
_N = 16384
_BN = 1024
_NBLK = _N // _BN

_NW = 32
_BPW = _N // _NW
_CHUNK = 128
_J = _BPW // _CHUNK


def _tc_body(x_ref, emb_ref, x2_ref, e2_ref, idx_ref, loss_ref):
    xb = x_ref[...].astype(jnp.bfloat16)
    eb = emb_ref[...]
    xy = lax.dot_general(eb, xb, (((1,), (1,)), ((), ())),
                         preferred_element_type=jnp.float32)
    d2 = (x2_ref[...] + e2_ref[...]) - 2.0 * xy
    v = jnp.maximum(d2, 0.0)
    dist = jnp.where(v == 0.0, v, v * lax.rsqrt(v))
    q_sz = _K // 2
    acc_v = acc_vb = acc_i = None
    for q in range(2):
        dq = dist[q * q_sz:(q + 1) * q_sz, :]
        m_q = jnp.min(dq, axis=0)
        ii = lax.broadcasted_iota(jnp.int32, (q_sz, _BN), 0) + q * q_sz
        i_q = jnp.min(jnp.where(dq == m_q[None, :], ii, _K), axis=0)
        if q == 0:
            acc_v, acc_i = m_q, i_q
            acc_vb = m_q.astype(jnp.bfloat16).astype(jnp.float32)
        else:
            keep = acc_vb <= m_q
            acc_v = jnp.where(keep, acc_v, m_q)
            acc_i = jnp.where(keep, acc_i, i_q)
            acc_vb = jnp.where(keep, acc_vb,
                               m_q.astype(jnp.bfloat16).astype(jnp.float32))
    m = acc_v.reshape(1, _BN)
    idx_ref[...] = acc_i.reshape(1, 1, _BN)

    @pl.when(pl.program_id(0) == 0)
    def _():
        loss_ref[...] = jnp.zeros_like(loss_ref)

    loss_ref[...] += jnp.sum(m * m).reshape(1, 1)


_tc_call = pl.pallas_call(
    _tc_body,
    grid=(_NBLK,),
    in_specs=[
        pl.BlockSpec((_BN, _C), lambda i: (i, 0)),
        pl.BlockSpec((_K, _C), lambda i: (0, 0)),
        pl.BlockSpec((1, _BN), lambda i: (0, i)),
        pl.BlockSpec((_K, 1), lambda i: (0, 0)),
    ],
    out_specs=[
        pl.BlockSpec((1, 1, _BN), lambda i: (i, 0, 0)),
        pl.BlockSpec((1, 1), lambda i: (0, 0)),
    ],
    out_shape=[
        jax.ShapeDtypeStruct((_NBLK, 1, _BN), jnp.int32),
        jax.ShapeDtypeStruct((1, 1), jnp.float32),
    ],
)


def _sc_gather_body(emb_hbm, idx_hbm, out_hbm, idx_v, rows_v, sem):
    wid = lax.axis_index("s") * 2 + lax.axis_index("c")
    pltpu.sync_copy(idx_hbm.at[wid], idx_v)
    copies = [
        pltpu.async_copy(emb_hbm.at[idx_v.at[j]], rows_v.at[j], sem)
        for j in range(_J)
    ]
    for cp in copies:
        cp.wait()
    for j in range(_J):
        pltpu.sync_copy(rows_v.at[j],
                        out_hbm.at[pl.ds(wid * _BPW + j * _CHUNK, _CHUNK)])


def _sc_gather(emb, idx):
    fn = pl.kernel(
        _sc_gather_body,
        mesh=plsc.VectorSubcoreMesh(core_axis_name="c", subcore_axis_name="s"),
        out_type=jax.ShapeDtypeStruct((_N, _C), jnp.float32),
        scratch_types=[
            pltpu.VMEM((_J, _CHUNK), jnp.int32),
            pltpu.VMEM((_J, _CHUNK, _C), jnp.float32),
            pltpu.SemaphoreType.DMA,
        ],
        compiler_params=pltpu.CompilerParams(use_tc_tiling_on_sc=False),
    )
    return fn(emb, idx)


def kernel(x, emb):
    B, C, H, W = x.shape
    xf = jnp.transpose(x, (0, 2, 3, 1)).reshape(-1, C)
    x2 = jnp.sum(xf ** 2, axis=1)[None, :]
    e2 = jnp.sum(emb ** 2, axis=1)[:, None]
    idx3, loss_sum = _tc_call(xf, emb, x2, e2)
    idx = idx3.reshape(_NW, _J, _CHUNK)
    quant = _sc_gather(emb, idx)
    loss = (2.0 / (_N * _C)) * loss_sum[0, 0]
    quant = xf + (quant - xf)
    quant_out = jnp.transpose(quant.reshape(B, H, W, C), (0, 3, 1, 2))
    return quant_out, loss, idx.reshape(B, H, W)

# --- scband reference (transcript-rebuilt; emitter-appended) ---
"""Pipeline reference for scband-quantizer-738734375640 (READ-ONLY COPY).

The authoritative reference and input builder live on the scoring server;
editing this copy changes nothing except your own understanding.
"""

import jax, jax.numpy as jnp
import numpy as np

CODEBOOK_SIZE = 8192
LATENT_DIM = 32
ALPHA = 1.0


def setup_inputs(seed: int = 0) -> dict:
    key = jax.random.key(seed)
    k1, k2 = jax.random.split(key)
    x = jax.random.normal(k1, (16, 32, 32, 32), dtype=jnp.float32)
    emb = jax.random.uniform(k2, (CODEBOOK_SIZE, LATENT_DIM), dtype=jnp.float32, minval=-1.0 / CODEBOOK_SIZE, maxval=1.0 / CODEBOOK_SIZE)
    return {"x": x, "emb": emb}


def reference(x, emb):
    B, C, H, W = x.shape
    xf = jnp.transpose(x, (0, 2, 3, 1)).reshape(-1, C)
    # torch.cdist (p=2): euclidean distance matrix [N_tokens, K]
    d2 = (jnp.sum(xf ** 2, axis=1, keepdims=True)
          + jnp.sum(emb ** 2, axis=1)[None, :]
          - 2.0 * (xf @ emb.T))
    dist = jnp.sqrt(jnp.clip(d2, 0.0, None))
    min_encoding_indices = jnp.argmin(dist, axis=-1)
    quant_out = jnp.take(emb, min_encoding_indices, axis=0)
    commitment_loss = jnp.mean((jax.lax.stop_gradient(quant_out) - xf) ** 2)
    codebook_loss = jnp.mean((quant_out - jax.lax.stop_gradient(xf)) ** 2)
    quantize_loss = commitment_loss + ALPHA * codebook_loss
    quant_out = xf + jax.lax.stop_gradient(quant_out - xf)
    quant_out = jnp.transpose(quant_out.reshape(B, H, W, C), (0, 3, 1, 2))
    min_encoding_indices = min_encoding_indices.reshape(-1, H, W)
    return (quant_out, quantize_loss, min_encoding_indices)

if __name__ == "__main__":
    import jax
    _d = setup_inputs()
    print(jax.jit(kernel)(*tuple(_d.values())))

</pallas_src>

<mosaic_0001>
#map = affine_map<(d0, d1) -> (0, 0)>
#map1 = affine_map<(d0, d1) -> (0, 0, 0)>
module attributes {stable_mosaic.version = 14 : i64} {
  func.func @_sc_gather_body(%arg0: i32, %arg1: i32, %arg2: memref<8192x32xf32, #tpu.memory_space<hbm>>, %arg3: memref<32x4x128xi32, #tpu.memory_space<hbm>>, %arg4: memref<16384x32xf32, #tpu.memory_space<hbm>>, %arg5: memref<4x128xi32, #tpu.memory_space<vmem>>, %arg6: memref<4x128x32xf32, #tpu.memory_space<vmem>>, %arg7: memref<!tpu.dma_semaphore, #tpu.memory_space<semaphore_mem>>) attributes {dimension_semantics = [#tpu.dimension_semantics<core_parallel>, #tpu.dimension_semantics<subcore_parallel>], iteration_bounds = array<i64: 2, 16>, scalar_prefetch = 0 : i64, scratch_operands = 3 : i64, tpu.core_type = #tpu.core_type<sc_vector_subcore>, window_params = [{transform_indices = #map}, {transform_indices = #map1}, {transform_indices = #map}]} {
    %mul3A = arith.constant 2 : i32
    %mul3A_0 = arith.muli %arg1, %mul3A : i32
    %add3A = arith.addi %mul3A_0, %arg0 : i32
    "tpu.region"() ({
      %run_scoped3A_114 = tpu.sem_alloc : memref<!tpu.dma_semaphore, #tpu.memory_space<semaphore_mem>>
      %dma_start3A_115 = arith.constant 0 : i32
      %dma_start3A_116 = arith.constant 0 : i32
      %dma_start3A_117 = tpu.memref_slice %arg3[%add3A, %dma_start3A_115, %dma_start3A_116] : memref<32x4x128xi32, #tpu.memory_space<hbm>> -> memref<1x4x128xi32, #tpu.memory_space<hbm>>
      %dma_start3A_118 = tpu.memref_squeeze %dma_start3A_117 : memref<1x4x128xi32, #tpu.memory_space<hbm>> -> memref<4x128xi32, #tpu.memory_space<hbm>>
      %dma_start3A_119 = arith.constant 0 : i32
      %dma_start3A_120 = arith.constant 0 : i32
      %dma_start3A_121 = tpu.memref_slice %arg3[%add3A, %dma_start3A_119, %dma_start3A_120] : memref<32x4x128xi32, #tpu.memory_space<hbm>> -> memref<1x4x128xi32, #tpu.memory_space<hbm>>
      %dma_start3A_122 = tpu.memref_squeeze %dma_start3A_121 : memref<1x4x128xi32, #tpu.memory_space<hbm>> -> memref<4x128xi32, #tpu.memory_space<hbm>>
      tpu.enqueue_dma source(%dma_start3A_122 : memref<4x128xi32, #tpu.memory_space<hbm>>) target(%arg5 : memref<4x128xi32, #tpu.memory_space<vmem>>) target_semaphore(%run_scoped3A_114 : memref<!tpu.dma_semaphore, #tpu.memory_space<semaphore_mem>>)
      %dma_wait3A_123 = arith.constant 0 : i32
      %dma_wait3A_124 = arith.constant 0 : i32
      %dma_wait3A_125 = tpu.memref_slice %arg3[%add3A, %dma_wait3A_123, %dma_wait3A_124] : memref<32x4x128xi32, #tpu.memory_space<hbm>> -> memref<1x4x128xi32, #tpu.memory_space<hbm>>
      %dma_wait3A_126 = tpu.memref_squeeze %dma_wait3A_125 : memref<1x4x128xi32, #tpu.memory_space<hbm>> -> memref<4x128xi32, #tpu.memory_space<hbm>>
      %dma_wait3A_127 = arith.constant 0 : i32
      %dma_wait3A_128 = arith.constant 0 : i32
      %dma_wait3A_129 = tpu.memref_slice %arg3[%add3A, %dma_wait3A_127, %dma_wait3A_128] : memref<32x4x128xi32, #tpu.memory_space<hbm>> -> memref<1x4x128xi32, #tpu.memory_space<hbm>>
      %dma_wait3A_130 = tpu.memref_squeeze %dma_wait3A_129 : memref<1x4x128xi32, #tpu.memory_space<hbm>> -> memref<4x128xi32, #tpu.memory_space<hbm>>
      tpu.wait_dma2 semaphore(%run_scoped3A_114 : memref<!tpu.dma_semaphore, #tpu.memory_space<semaphore_mem>>) src(%dma_wait3A_130 : memref<4x128xi32, #tpu.memory_space<hbm>>) dst(%arg5 : memref<4x128xi32, #tpu.memory_space<vmem>>)
      tpu.yield
    }) : () -> ()
    %dma_start3A = arith.constant 0 : i32
    %dma_start3A_1 = arith.constant 0 : i32
    %dma_start3A_2 = arith.constant 0 : i32
    %dma_start3A_3 = arith.constant 0 : i32
    %dma_start3A_4 = tpu.memref_slice %arg6[%dma_start3A_1, %dma_start3A_2, %dma_start3A_3] : memref<4x128x32xf32, #tpu.memory_space<vmem>> -> memref<1x128x32xf32, #tpu.memory_space<vmem>>
    %dma_start3A_5 = tpu.memref_squeeze %dma_start3A_4 : memref<1x128x32xf32, #tpu.memory_space<vmem>> -> memref<128x32xf32, #tpu.memory_space<vmem>>
    %dma_start3A_6 = arith.constant 0 : i32
    %dma_start3A_7 = tpu.memref_slice %arg5[%dma_start3A, %dma_start3A_6] : memref<4x128xi32, #tpu.memory_space<vmem>> -> memref<1x128xi32, #tpu.memory_space<vmem>>
    %dma_start3A_8 = tpu.memref_squeeze %dma_start3A_7 : memref<1x128xi32, #tpu.memory_space<vmem>> -> memref<128xi32, #tpu.memory_space<vmem>>
    %dma_start3A_9 = arith.constant 0 : i32
    %dma_start3A_10 = arith.constant 0 : i32
    %dma_start3A_11 = tpu.memref_slice %arg2[%dma_start3A_9, %dma_start3A_10] : memref<8192x32xf32, #tpu.memory_space<hbm>> -> memref<8192x32xf32, #tpu.memory_space<hbm>>
    tpu.enqueue_indirect_dma source(%dma_start3A_11 : memref<8192x32xf32, #tpu.memory_space<hbm>>) target(%dma_start3A_5 : memref<128x32xf32, #tpu.memory_space<vmem>>) offsets(%dma_start3A_8 : memref<128xi32, #tpu.memory_space<vmem>>) semaphore(%arg7 : memref<!tpu.dma_semaphore, #tpu.memory_space<semaphore_mem>>)
    %dma_start3A_12 = arith.constant 1 : i32
    %dma_start3A_13 = arith.constant 1 : i32
    %dma_start3A_14 = arith.constant 0 : i32
    %dma_start3A_15 = arith.constant 0 : i32
    %dma_start3A_16 = tpu.memref_slice %arg6[%dma_start3A_13, %dma_start3A_14, %dma_start3A_15] : memref<4x128x32xf32, #tpu.memory_space<vmem>> -> memref<1x128x32xf32, #tpu.memory_space<vmem>>
    %dma_start3A_17 = tpu.memref_squeeze %dma_start3A_16 : memref<1x128x32xf32, #tpu.memory_space<vmem>> -> memref<128x32xf32, #tpu.memory_space<vmem>>
    %dma_start3A_18 = arith.constant 0 : i32
    %dma_start3A_19 = tpu.memref_slice %arg5[%dma_start3A_12, %dma_start3A_18] : memref<4x128xi32, #tpu.memory_space<vmem>> -> memref<1x128xi32, #tpu.memory_space<vmem>>
    %dma_start3A_20 = tpu.memref_squeeze %dma_start3A_19 : memref<1x128xi32, #tpu.memory_space<vmem>> -> memref<128xi32, #tpu.memory_space<vmem>>
    %dma_start3A_21 = arith.constant 0 : i32
    %dma_start3A_22 = arith.constant 0 : i32
    %dma_start3A_23 = tpu.memref_slice %arg2[%dma_start3A_21, %dma_start3A_22] : memref<8192x32xf32, #tpu.memory_space<hbm>> -> memref<8192x32xf32, #tpu.memory_space<hbm>>
    tpu.enqueue_indirect_dma source(%dma_start3A_23 : memref<8192x32xf32, #tpu.memory_space<hbm>>) target(%dma_start3A_17 : memref<128x32xf32, #tpu.memory_space<vmem>>) offsets(%dma_start3A_20 : memref<128xi32, #tpu.memory_space<vmem>>) semaphore(%arg7 : memref<!tpu.dma_semaphore, #tpu.memory_space<semaphore_mem>>)
    %dma_start3A_24 = arith.constant 2 : i32
    %dma_start3A_25 = arith.constant 2 : i32
    %dma_start3A_26 = arith.constant 0 : i32
    %dma_start3A_27 = arith.constant 0 : i32
    %dma_start3A_28 = tpu.memref_slice %arg6[%dma_start3A_25, %dma_start3A_26, %dma_start3A_27] : memref<4x128x32xf32, #tpu.memory_space<vmem>> -> memref<1x128x32xf32, #tpu.memory_space<vmem>>
    %dma_start3A_29 = tpu.memref_squeeze %dma_start3A_28 : memref<1x128x32xf32, #tpu.memory_space<vmem>> -> memref<128x32xf32, #tpu.memory_space<vmem>>
    %dma_start3A_30 = arith.constant 0 : i32
    %dma_start3A_31 = tpu.memref_slice %arg5[%dma_start3A_24, %dma_start3A_30] : memref<4x128xi32, #tpu.memory_space<vmem>> -> memref<1x128xi32, #tpu.memory_space<vmem>>
    %dma_start3A_32 = tpu.memref_squeeze %dma_start3A_31 : memref<1x128xi32, #tpu.memory_space<vmem>> -> memref<128xi32, #tpu.memory_space<vmem>>
    %dma_start3A_33 = arith.constant 0 : i32
    %dma_start3A_34 = arith.constant 0 : i32
    %dma_start3A_35 = tpu.memref_slice %arg2[%dma_start3A_33, %dma_start3A_34] : memref<8192x32xf32, #tpu.memory_space<hbm>> -> memref<8192x32xf32, #tpu.memory_space<hbm>>
    tpu.enqueue_indirect_dma source(%dma_start3A_35 : memref<8192x32xf32, #tpu.memory_space<hbm>>) target(%dma_start3A_29 : memref<128x32xf32, #tpu.memory_space<vmem>>) offsets(%dma_start3A_32 : memref<128xi32, #tpu.memory_space<vmem>>) semaphore(%arg7 : memref<!tpu.dma_semaphore, #tpu.memory_space<semaphore_mem>>)
    %dma_start3A_36 = arith.constant 3 : i32
    %dma_start3A_37 = arith.constant 3 : i32
    %dma_start3A_38 = arith.constant 0 : i32
    %dma_start3A_39 = arith.constant 0 : i32
    %dma_start3A_40 = tpu.memref_slice %arg6[%dma_start3A_37, %dma_start3A_38, %dma_start3A_39] : memref<4x128x32xf32, #tpu.memory_space<vmem>> -> memref<1x128x32xf32, #tpu.memory_space<vmem>>
    %dma_start3A_41 = tpu.memref_squeeze %dma_start3A_40 : memref<1x128x32xf32, #tpu.memory_space<vmem>> -> memref<128x32xf32, #tpu.memory_space<vmem>>
    %dma_start3A_42 = arith.constant 0 : i32
    %dma_start3A_43 = tpu.memref_slice %arg5[%dma_start3A_36, %dma_start3A_42] : memref<4x128xi32, #tpu.memory_space<vmem>> -> memref<1x128xi32, #tpu.memory_space<vmem>>
    %dma_start3A_44 = tpu.memref_squeeze %dma_start3A_43 : memref<1x128xi32, #tpu.memory_space<vmem>> -> memref<128xi32, #tpu.memory_space<vmem>>
    %dma_start3A_45 = arith.constant 0 : i32
    %dma_start3A_46 = arith.constant 0 : i32
    %dma_start3A_47 = tpu.memref_slice %arg2[%dma_start3A_45, %dma_start3A_46] : memref<8192x32xf32, #tpu.memory_space<hbm>> -> memref<8192x32xf32, #tpu.memory_space<hbm>>
    tpu.enqueue_indirect_dma source(%dma_start3A_47 : memref<8192x32xf32, #tpu.memory_space<hbm>>) target(%dma_start3A_41 : memref<128x32xf32, #tpu.memory_space<vmem>>) offsets(%dma_start3A_44 : memref<128xi32, #tpu.memory_space<vmem>>) semaphore(%arg7 : memref<!tpu.dma_semaphore, #tpu.memory_space<semaphore_mem>>)
    %dma_wait3A = arith.constant 0 : i32
    %dma_wait3A_48 = arith.constant 0 : i32
    %dma_wait3A_49 = arith.constant 0 : i32
    %dma_wait3A_50 = arith.constant 0 : i32
    %dma_wait3A_51 = tpu.memref_slice %arg6[%dma_wait3A_48, %dma_wait3A_49, %dma_wait3A_50] : memref<4x128x32xf32, #tpu.memory_space<vmem>> -> memref<1x128x32xf32, #tpu.memory_space<vmem>>
    %dma_wait3A_52 = tpu.memref_squeeze %dma_wait3A_51 : memref<1x128x32xf32, #tpu.memory_space<vmem>> -> memref<128x32xf32, #tpu.memory_space<vmem>>
    %dma_wait3A_53 = arith.constant 0 : i32
    %dma_wait3A_54 = tpu.memref_slice %arg5[%dma_wait3A, %dma_wait3A_53] : memref<4x128xi32, #tpu.memory_space<vmem>> -> memref<1x128xi32, #tpu.memory_space<vmem>>
    %dma_wait3A_55 = tpu.memref_squeeze %dma_wait3A_54 : memref<1x128xi32, #tpu.memory_space<vmem>> -> memref<128xi32, #tpu.memory_space<vmem>>
    %dma_wait3A_56 = arith.constant 0 : i32
    %dma_wait3A_57 = arith.constant 0 : i32
    %dma_wait3A_58 = tpu.memref_slice %arg2[%dma_wait3A_56, %dma_wait3A_57] : memref<8192x32xf32, #tpu.memory_space<hbm>> -> memref<8192x32xf32, #tpu.memory_space<hbm>>
    tpu.wait_indirect_dma semaphore(%arg7 : memref<!tpu.dma_semaphore, #tpu.memory_space<semaphore_mem>>) src(%dma_wait3A_58 : memref<8192x32xf32, #tpu.memory_space<hbm>>) dst(%dma_wait3A_52 : memref<128x32xf32, #tpu.memory_space<vmem>>)
    %dma_wait3A_59 = arith.constant 1 : i32
    %dma_wait3A_60 = arith.constant 1 : i32
    %dma_wait3A_61 = arith.constant 0 : i32
    %dma_wait3A_62 = arith.constant 0 : i32
    %dma_wait3A_63 = tpu.memref_slice %arg6[%dma_wait3A_60, %dma_wait3A_61, %dma_wait3A_62] : memref<4x128x32xf32, #tpu.memory_space<vmem>> -> memref<1x128x32xf32, #tpu.memory_space<vmem>>
    %dma_wait3A_64 = tpu.memref_squeeze %dma_wait3A_63 : memref<1x128x32xf32, #tpu.memory_space<vmem>> -> memref<128x32xf32, #tpu.memory_space<vmem>>
    %dma_wait3A_65 = arith.constant 0 : i32
    %dma_wait3A_66 = tpu.memref_slice %arg5[%dma_wait3A_59, %dma_wait3A_65] : memref<4x128xi32, #tpu.memory_space<vmem>> -> memref<1x128xi32, #tpu.memory_space<vmem>>
    %dma_wait3A_67 = tpu.memref_squeeze %dma_wait3A_66 : memref<1x128xi32, #tpu.memory_space<vmem>> -> memref<128xi32, #tpu.memory_space<vmem>>
    %dma_wait3A_68 = arith.constant 0 : i32
    %dma_wait3A_69 = arith.constant 0 : i32
    %dma_wait3A_70 = tpu.memref_slice %arg2[%dma_wait3A_68, %dma_wait3A_69] : memref<8192x32xf32, #tpu.memory_space<hbm>> -> memref<8192x32xf32, #tpu.memory_space<hbm>>
    tpu.wait_indirect_dma semaphore(%arg7 : memref<!tpu.dma_semaphore, #tpu.memory_space<semaphore_mem>>) src(%dma_wait3A_70 : memref<8192x32xf32, #tpu.memory_space<hbm>>) dst(%dma_wait3A_64 : memref<128x32xf32, #tpu.memory_space<vmem>>)
    %dma_wait3A_71 = arith.constant 2 : i32
    %dma_wait3A_72 = arith.constant 2 : i32
    %dma_wait3A_73 = arith.constant 0 : i32
    %dma_wait3A_74 = arith.constant 0 : i32
    %dma_wait3A_75 = tpu.memref_slice %arg6[%dma_wait3A_72, %dma_wait3A_73, %dma_wait3A_74] : memref<4x128x32xf32, #tpu.memory_space<vmem>> -> memref<1x128x32xf32, #tpu.memory_space<vmem>>
    %dma_wait3A_76 = tpu.memref_squeeze %dma_wait3A_75 : memref<1x128x32xf32, #tpu.memory_space<vmem>> -> memref<128x32xf32, #tpu.memory_space<vmem>>
    %dma_wait3A_77 = arith.constant 0 : i32
    %dma_wait3A_78 = tpu.memref_slice %arg5[%dma_wait3A_71, %dma_wait3A_77] : memref<4x128xi32, #tpu.memory_space<vmem>> -> memref<1x128xi32, #tpu.memory_space<vmem>>
    %dma_wait3A_79 = tpu.memref_squeeze %dma_wait3A_78 : memref<1x128xi32, #tpu.memory_space<vmem>> -> memref<128xi32, #tpu.memory_space<vmem>>
    %dma_wait3A_80 = arith.constant 0 : i32
    %dma_wait3A_81 = arith.constant 0 : i32
    %dma_wait3A_82 = tpu.memref_slice %arg2[%dma_wait3A_80, %dma_wait3A_81] : memref<8192x32xf32, #tpu.memory_space<hbm>> -> memref<8192x32xf32, #tpu.memory_space<hbm>>
    tpu.wait_indirect_dma semaphore(%arg7 : memref<!tpu.dma_semaphore, #tpu.memory_space<semaphore_mem>>) src(%dma_wait3A_82 : memref<8192x32xf32, #tpu.memory_space<hbm>>) dst(%dma_wait3A_76 : memref<128x32xf32, #tpu.memory_space<vmem>>)
    %dma_wait3A_83 = arith.constant 3 : i32
    %dma_wait3A_84 = arith.constant 3 : i32
    %dma_wait3A_85 = arith.constant 0 : i32
    %dma_wait3A_86 = arith.constant 0 : i32
    %dma_wait3A_87 = tpu.memref_slice %arg6[%dma_wait3A_84, %dma_wait3A_85, %dma_wait3A_86] : memref<4x128x32xf32, #tpu.memory_space<vmem>> -> memref<1x128x32xf32, #tpu.memory_space<vmem>>
    %dma_wait3A_88 = tpu.memref_squeeze %dma_wait3A_87 : memref<1x128x32xf32, #tpu.memory_space<vmem>> -> memref<128x32xf32, #tpu.memory_space<vmem>>
    %dma_wait3A_89 = arith.constant 0 : i32
    %dma_wait3A_90 = tpu.memref_slice %arg5[%dma_wait3A_83, %dma_wait3A_89] : memref<4x128xi32, #tpu.memory_space<vmem>> -> memref<1x128xi32, #tpu.memory_space<vmem>>
    %dma_wait3A_91 = tpu.memref_squeeze %dma_wait3A_90 : memref<1x128xi32, #tpu.memory_space<vmem>> -> memref<128xi32, #tpu.memory_space<vmem>>
    %dma_wait3A_92 = arith.constant 0 : i32
    %dma_wait3A_93 = arith.constant 0 : i32
    %dma_wait3A_94 = tpu.memref_slice %arg2[%dma_wait3A_92, %dma_wait3A_93] : memref<8192x32xf32, #tpu.memory_space<hbm>> -> memref<8192x32xf32, #tpu.memory_space<hbm>>
    tpu.wait_indirect_dma semaphore(%arg7 : memref<!tpu.dma_semaphore, #tpu.memory_space<semaphore_mem>>) src(%dma_wait3A_94 : memref<8192x32xf32, #tpu.memory_space<hbm>>) dst(%dma_wait3A_88 : memref<128x32xf32, #tpu.memory_space<vmem>>)
    %mul3A_95 = arith.constant 512 : i32
    %mul3A_96 = arith.muli %add3A, %mul3A_95 : i32
    %add3A_97 = arith.constant 0 : i32
    %add3A_98 = arith.addi %mul3A_96, %add3A_97 : i32
    %run_scoped3A = arith.constant 0 : i32
    "tpu.region"() ({
      %run_scoped3A_114 = tpu.sem_alloc : memref<!tpu.dma_semaphore, #tpu.memory_space<semaphore_mem>>
      %dma_start3A_115 = arith.constant 0 : i32
      %dma_start3A_116 = arith.constant 0 : i32
      %dma_start3A_117 = tpu.memref_slice %arg6[%run_scoped3A, %dma_start3A_115, %dma_start3A_116] : memref<4x128x32xf32, #tpu.memory_space<vmem>> -> memref<1x128x32xf32, #tpu.memory_space<vmem>>
      %dma_start3A_118 = tpu.memref_squeeze %dma_start3A_117 : memref<1x128x32xf32, #tpu.memory_space<vmem>> -> memref<128x32xf32, #tpu.memory_space<vmem>>
      %dma_start3A_119 = arith.constant 0 : i32
      %dma_start3A_120 = tpu.memref_slice %arg4[%add3A_98, %dma_start3A_119] : memref<16384x32xf32, #tpu.memory_space<hbm>> -> memref<128x32xf32, #tpu.memory_space<hbm>>
      %dma_start3A_121 = arith.constant 0 : i32
      %dma_start3A_122 = tpu.memref_slice %arg4[%add3A_98, %dma_start3A_121] : memref<16384x32xf32, #tpu.memory_space<hbm>> -> memref<128x32xf32, #tpu.memory_space<hbm>>
      %dma_start3A_123 = arith.constant 0 : i32
      %dma_start3A_124 = arith.constant 0 : i32
      %dma_start3A_125 = tpu.memref_slice %arg6[%run_scoped3A, %dma_start3A_123, %dma_start3A_124] : memref<4x128x32xf32, #tpu.memory_space<vmem>> -> memref<1x128x32xf32, #tpu.memory_space<vmem>>
      %dma_start3A_126 = tpu.memref_squeeze %dma_start3A_125 : memref<1x128x32xf32, #tpu.memory_space<vmem>> -> memref<128x32xf32, #tpu.memory_space<vmem>>
      tpu.enqueue_dma source(%dma_start3A_126 : memref<128x32xf32, #tpu.memory_space<vmem>>) target(%dma_start3A_122 : memref<128x32xf32, #tpu.memory_space<hbm>>) target_semaphore(%run_scoped3A_114 : memref<!tpu.dma_semaphore, #tpu.memory_space<semaphore_mem>>)
      %dma_wait3A_127 = arith.constant 0 : i32
      %dma_wait3A_128 = arith.constant 0 : i32
      %dma_wait3A_129 = tpu.memref_slice %arg6[%run_scoped3A, %dma_wait3A_127, %dma_wait3A_128] : memref<4x128x32xf32, #tpu.memory_space<vmem>> -> memref<1x128x32xf32, #tpu.memory_space<vmem>>
      %dma_wait3A_130 = tpu.memref_squeeze %dma_wait3A_129 : memref<1x128x32xf32, #tpu.memory_space<vmem>> -> memref<128x32xf32, #tpu.memory_space<vmem>>
      %dma_wait3A_131 = arith.constant 0 : i32
      %dma_wait3A_132 = tpu.memref_slice %arg4[%add3A_98, %dma_wait3A_131] : memref<16384x32xf32, #tpu.memory_space<hbm>> -> memref<128x32xf32, #tpu.memory_space<hbm>>
      %dma_wait3A_133 = arith.constant 0 : i32
      %dma_wait3A_134 = tpu.memref_slice %arg4[%add3A_98, %dma_wait3A_133] : memref<16384x32xf32, #tpu.memory_space<hbm>> -> memref<128x32xf32, #tpu.memory_space<hbm>>
      %dma_wait3A_135 = arith.constant 0 : i32
      %dma_wait3A_136 = arith.constant 0 : i32
      %dma_wait3A_137 = tpu.memref_slice %arg6[%run_scoped3A, %dma_wait3A_135, %dma_wait3A_136] : memref<4x128x32xf32, #tpu.memory_space<vmem>> -> memref<1x128x32xf32, #tpu.memory_space<vmem>>
      %dma_wait3A_138 = tpu.memref_squeeze %dma_wait3A_137 : memref<1x128x32xf32, #tpu.memory_space<vmem>> -> memref<128x32xf32, #tpu.memory_space<vmem>>
      tpu.wait_dma2 semaphore(%run_scoped3A_114 : memref<!tpu.dma_semaphore, #tpu.memory_space<semaphore_mem>>) src(%dma_wait3A_138 : memref<128x32xf32, #tpu.memory_space<vmem>>) dst(%dma_wait3A_134 : memref<128x32xf32, #tpu.memory_space<hbm>>)
      tpu.yield
    }) : () -> ()
    %mul3A_99 = arith.constant 512 : i32
    %mul3A_100 = arith.muli %add3A, %mul3A_99 : i32
    %add3A_101 = arith.constant 128 : i32
    %add3A_102 = arith.addi %mul3A_100, %add3A_101 : i32
    %run_scoped3A_103 = arith.constant 1 : i32
    "tpu.region"() ({
      %run_scoped3A_114 = tpu.sem_alloc : memref<!tpu.dma_semaphore, #tpu.memory_space<semaphore_mem>>
      %dma_start3A_115 = arith.constant 0 : i32
      %dma_start3A_116 = arith.constant 0 : i32
      %dma_start3A_117 = tpu.memref_slice %arg6[%run_scoped3A_103, %dma_start3A_115, %dma_start3A_116] : memref<4x128x32xf32, #tpu.memory_space<vmem>> -> memref<1x128x32xf32, #tpu.memory_space<vmem>>
      %dma_start3A_118 = tpu.memref_squeeze %dma_start3A_117 : memref<1x128x32xf32, #tpu.memory_space<vmem>> -> memref<128x32xf32, #tpu.memory_space<vmem>>
      %dma_start3A_119 = arith.constant 0 : i32
      %dma_start3A_120 = tpu.memref_slice %arg4[%add3A_102, %dma_start3A_119] : memref<16384x32xf32, #tpu.memory_space<hbm>> -> memref<128x32xf32, #tpu.memory_space<hbm>>
      %dma_start3A_121 = arith.constant 0 : i32
      %dma_start3A_122 = tpu.memref_slice %arg4[%add3A_102, %dma_start3A_121] : memref<16384x32xf32, #tpu.memory_space<hbm>> -> memref<128x32xf32, #tpu.memory_space<hbm>>
      %dma_start3A_123 = arith.constant 0 : i32
      %dma_start3A_124 = arith.constant 0 : i32
      %dma_start3A_125 = tpu.memref_slice %arg6[%run_scoped3A_103, %dma_start3A_123, %dma_start3A_124] : memref<4x128x32xf32, #tpu.memory_space<vmem>> -> memref<1x128x32xf32, #tpu.memory_space<vmem>>
      %dma_start3A_126 = tpu.memref_squeeze %dma_start3A_125 : memref<1x128x32xf32, #tpu.memory_space<vmem>> -> memref<128x32xf32, #tpu.memory_space<vmem>>
      tpu.enqueue_dma source(%dma_start3A_126 : memref<128x32xf32, #tpu.memory_space<vmem>>) target(%dma_start3A_122 : memref<128x32xf32, #tpu.memory_space<hbm>>) target_semaphore(%run_scoped3A_114 : memref<!tpu.dma_semaphore, #tpu.memory_space<semaphore_mem>>)
      %dma_wait3A_127 = arith.constant 0 : i32
      %dma_wait3A_128 = arith.constant 0 : i32
      %dma_wait3A_129 = tpu.memref_slice %arg6[%run_scoped3A_103, %dma_wait3A_127, %dma_wait3A_128] : memref<4x128x32xf32, #tpu.memory_space<vmem>> -> memref<1x128x32xf32, #tpu.memory_space<vmem>>
      %dma_wait3A_130 = tpu.memref_squeeze %dma_wait3A_129 : memref<1x128x32xf32, #tpu.memory_space<vmem>> -> memref<128x32xf32, #tpu.memory_space<vmem>>
      %dma_wait3A_131 = arith.constant 0 : i32
      %dma_wait3A_132 = tpu.memref_slice %arg4[%add3A_102, %dma_wait3A_131] : memref<16384x32xf32, #tpu.memory_space<hbm>> -> memref<128x32xf32, #tpu.memory_space<hbm>>
      %dma_wait3A_133 = arith.constant 0 : i32
      %dma_wait3A_134 = tpu.memref_slice %arg4[%add3A_102, %dma_wait3A_133] : memref<16384x32xf32, #tpu.memory_space<hbm>> -> memref<128x32xf32, #tpu.memory_space<hbm>>
      %dma_wait3A_135 = arith.constant 0 : i32
      %dma_wait3A_136 = arith.constant 0 : i32
      %dma_wait3A_137 = tpu.memref_slice %arg6[%run_scoped3A_103, %dma_wait3A_135, %dma_wait3A_136] : memref<4x128x32xf32, #tpu.memory_space<vmem>> -> memref<1x128x32xf32, #tpu.memory_space<vmem>>
      %dma_wait3A_138 = tpu.memref_squeeze %dma_wait3A_137 : memref<1x128x32xf32, #tpu.memory_space<vmem>> -> memref<128x32xf32, #tpu.memory_space<vmem>>
      tpu.wait_dma2 semaphore(%run_scoped3A_114 : memref<!tpu.dma_semaphore, #tpu.memory_space<semaphore_mem>>) src(%dma_wait3A_138 : memref<128x32xf32, #tpu.memory_space<vmem>>) dst(%dma_wait3A_134 : memref<128x32xf32, #tpu.memory_space<hbm>>)
      tpu.yield
    }) : () -> ()
    %mul3A_104 = arith.constant 512 : i32
    %mul3A_105 = arith.muli %add3A, %mul3A_104 : i32
    %add3A_106 = arith.constant 256 : i32
    %add3A_107 = arith.addi %mul3A_105, %add3A_106 : i32
    %run_scoped3A_108 = arith.constant 2 : i32
    "tpu.region"() ({
      %run_scoped3A_114 = tpu.sem_alloc : memref<!tpu.dma_semaphore, #tpu.memory_space<semaphore_mem>>
      %dma_start3A_115 = arith.constant 0 : i32
      %dma_start3A_116 = arith.constant 0 : i32
      %dma_start3A_117 = tpu.memref_slice %arg6[%run_scoped3A_108, %dma_start3A_115, %dma_start3A_116] : memref<4x128x32xf32, #tpu.memory_space<vmem>> -> memref<1x128x32xf32, #tpu.memory_space<vmem>>
      %dma_start3A_118 = tpu.memref_squeeze %dma_start3A_117 : memref<1x128x32xf32, #tpu.memory_space<vmem>> -> memref<128x32xf32, #tpu.memory_space<vmem>>
      %dma_start3A_119 = arith.constant 0 : i32
      %dma_start3A_120 = tpu.memref_slice %arg4[%add3A_107, %dma_start3A_119] : memref<16384x32xf32, #tpu.memory_space<hbm>> -> memref<128x32xf32, #tpu.memory_space<hbm>>
      %dma_start3A_121 = arith.constant 0 : i32
      %dma_start3A_122 = tpu.memref_slice %arg4[%add3A_107, %dma_start3A_121] : memref<16384x32xf32, #tpu.memory_space<hbm>> -> memref<128x32xf32, #tpu.memory_space<hbm>>
      %dma_start3A_123 = arith.constant 0 : i32
      %dma_start3A_124 = arith.constant 0 : i32
      %dma_start3A_125 = tpu.memref_slice %arg6[%run_scoped3A_108, %dma_start3A_123, %dma_start3A_124] : memref<4x128x32xf32, #tpu.memory_space<vmem>> -> memref<1x128x32xf32, #tpu.memory_space<vmem>>
      %dma_start3A_126 = tpu.memref_squeeze %dma_start3A_125 : memref<1x128x32xf32, #tpu.memory_space<vmem>> -> memref<128x32xf32, #tpu.memory_space<vmem>>
      tpu.enqueue_dma source(%dma_start3A_126 : memref<128x32xf32, #tpu.memory_space<vmem>>) target(%dma_start3A_122 : memref<128x32xf32, #tpu.memory_space<hbm>>) target_semaphore(%run_scoped3A_114 : memref<!tpu.dma_semaphore, #tpu.memory_space<semaphore_mem>>)
      %dma_wait3A_127 = arith.constant 0 : i32
      %dma_wait3A_128 = arith.constant 0 : i32
      %dma_wait3A_129 = tpu.memref_slice %arg6[%run_scoped3A_108, %dma_wait3A_127, %dma_wait3A_128] : memref<4x128x32xf32, #tpu.memory_space<vmem>> -> memref<1x128x32xf32, #tpu.memory_space<vmem>>
      %dma_wait3A_130 = tpu.memref_squeeze %dma_wait3A_129 : memref<1x128x32xf32, #tpu.memory_space<vmem>> -> memref<128x32xf32, #tpu.memory_space<vmem>>
      %dma_wait3A_131 = arith.constant 0 : i32
      %dma_wait3A_132 = tpu.memref_slice %arg4[%add3A_107, %dma_wait3A_131] : memref<16384x32xf32, #tpu.memory_space<hbm>> -> memref<128x32xf32, #tpu.memory_space<hbm>>
      %dma_wait3A_133 = arith.constant 0 : i32
      %dma_wait3A_134 = tpu.memref_slice %arg4[%add3A_107, %dma_wait3A_133] : memref<16384x32xf32, #tpu.memory_space<hbm>> -> memref<128x32xf32, #tpu.memory_space<hbm>>
      %dma_wait3A_135 = arith.constant 0 : i32
      %dma_wait3A_136 = arith.constant 0 : i32
      %dma_wait3A_137 = tpu.memref_slice %arg6[%run_scoped3A_108, %dma_wait3A_135, %dma_wait3A_136] : memref<4x128x32xf32, #tpu.memory_space<vmem>> -> memref<1x128x32xf32, #tpu.memory_space<vmem>>
      %dma_wait3A_138 = tpu.memref_squeeze %dma_wait3A_137 : memref<1x128x32xf32, #tpu.memory_space<vmem>> -> memref<128x32xf32, #tpu.memory_space<vmem>>
      tpu.wait_dma2 semaphore(%run_scoped3A_114 : memref<!tpu.dma_semaphore, #tpu.memory_space<semaphore_mem>>) src(%dma_wait3A_138 : memref<128x32xf32, #tpu.memory_space<vmem>>) dst(%dma_wait3A_134 : memref<128x32xf32, #tpu.memory_space<hbm>>)
      tpu.yield
    }) : () -> ()
    %mul3A_109 = arith.constant 512 : i32
    %mul3A_110 = arith.muli %add3A, %mul3A_109 : i32
    %add3A_111 = arith.constant 384 : i32
    %add3A_112 = arith.addi %mul3A_110, %add3A_111 : i32
    %run_scoped3A_113 = arith.constant 3 : i32
    "tpu.region"() ({
      %run_scoped3A_114 = tpu.sem_alloc : memref<!tpu.dma_semaphore, #tpu.memory_space<semaphore_mem>>
      %dma_start3A_115 = arith.constant 0 : i32
      %dma_start3A_116 = arith.constant 0 : i32
      %dma_start3A_117 = tpu.memref_slice %arg6[%run_scoped3A_113, %dma_start3A_115, %dma_start3A_116] : memref<4x128x32xf32, #tpu.memory_space<vmem>> -> memref<1x128x32xf32, #tpu.memory_space<vmem>>
      %dma_start3A_118 = tpu.memref_squeeze %dma_start3A_117 : memref<1x128x32xf32, #tpu.memory_space<vmem>> -> memref<128x32xf32, #tpu.memory_space<vmem>>
      %dma_start3A_119 = arith.constant 0 : i32
      %dma_start3A_120 = tpu.memref_slice %arg4[%add3A_112, %dma_start3A_119] : memref<16384x32xf32, #tpu.memory_space<hbm>> -> memref<128x32xf32, #tpu.memory_space<hbm>>
      %dma_start3A_121 = arith.constant 0 : i32
      %dma_start3A_122 = tpu.memref_slice %arg4[%add3A_112, %dma_start3A_121] : memref<16384x32xf32, #tpu.memory_space<hbm>> -> memref<128x32xf32, #tpu.memory_space<hbm>>
      %dma_start3A_123 = arith.constant 0 : i32
      %dma_start3A_124 = arith.constant 0 : i32
      %dma_start3A_125 = tpu.memref_slice %arg6[%run_scoped3A_113, %dma_start3A_123, %dma_start3A_124] : memref<4x128x32xf32, #tpu.memory_space<vmem>> -> memref<1x128x32xf32, #tpu.memory_space<vmem>>
      %dma_start3A_126 = tpu.memref_squeeze %dma_start3A_125 : memref<1x128x32xf32, #tpu.memory_space<vmem>> -> memref<128x32xf32, #tpu.memory_space<vmem>>
      tpu.enqueue_dma source(%dma_start3A_126 : memref<128x32xf32, #tpu.memory_space<vmem>>) target(%dma_start3A_122 : memref<128x32xf32, #tpu.memory_space<hbm>>) target_semaphore(%run_scoped3A_114 : memref<!tpu.dma_semaphore, #tpu.memory_space<semaphore_mem>>)
      %dma_wait3A_127 = arith.constant 0 : i32
      %dma_wait3A_128 = arith.constant 0 : i32
      %dma_wait3A_129 = tpu.memref_slice %arg6[%run_scoped3A_113, %dma_wait3A_127, %dma_wait3A_128] : memref<4x128x32xf32, #tpu.memory_space<vmem>> -> memref<1x128x32xf32, #tpu.memory_space<vmem>>
      %dma_wait3A_130 = tpu.memref_squeeze %dma_wait3A_129 : memref<1x128x32xf32, #tpu.memory_space<vmem>> -> memref<128x32xf32, #tpu.memory_space<vmem>>
      %dma_wait3A_131 = arith.constant 0 : i32
      %dma_wait3A_132 = tpu.memref_slice %arg4[%add3A_112, %dma_wait3A_131] : memref<16384x32xf32, #tpu.memory_space<hbm>> -> memref<128x32xf32, #tpu.memory_space<hbm>>
      %dma_wait3A_133 = arith.constant 0 : i32
      %dma_wait3A_134 = tpu.memref_slice %arg4[%add3A_112, %dma_wait3A_133] : memref<16384x32xf32, #tpu.memory_space<hbm>> -> memref<128x32xf32, #tpu.memory_space<hbm>>
      %dma_wait3A_135 = arith.constant 0 : i32
      %dma_wait3A_136 = arith.constant 0 : i32
      %dma_wait3A_137 = tpu.memref_slice %arg6[%run_scoped3A_113, %dma_wait3A_135, %dma_wait3A_136] : memref<4x128x32xf32, #tpu.memory_space<vmem>> -> memref<1x128x32xf32, #tpu.memory_space<vmem>>
      %dma_wait3A_138 = tpu.memref_squeeze %dma_wait3A_137 : memref<1x128x32xf32, #tpu.memory_space<vmem>> -> memref<128x32xf32, #tpu.memory_space<vmem>>
      tpu.wait_dma2 semaphore(%run_scoped3A_114 : memref<!tpu.dma_semaphore, #tpu.memory_space<semaphore_mem>>) src(%dma_wait3A_138 : memref<128x32xf32, #tpu.memory_space<vmem>>) dst(%dma_wait3A_134 : memref<128x32xf32, #tpu.memory_space<hbm>>)
      tpu.yield
    }) : () -> ()
    return
  }
}

module attributes {stable_mosaic.version = 14 : i64} {
  func.func @_tc_body(%arg0: i32, %arg1: memref<1024x32xf32, #tpu.memory_space<vmem>>, %arg2: memref<8192x32xf32, #tpu.memory_space<vmem>>, %arg3: memref<1x1024xf32, #tpu.memory_space<vmem>>, %arg4: memref<8192x1xf32, #tpu.memory_space<vmem>>, %arg5: memref<1x1x1024xi32, #tpu.memory_space<vmem>>, %arg6: memref<1x1xf32, #tpu.memory_space<vmem>>) attributes {dimension_semantics = [#tpu.dimension_semantics<arbitrary>], iteration_bounds = array<i64: 16>, scalar_prefetch = 0 : i64, scratch_operands = 0 : i64, tpu.core_type = #tpu.core_type<tc>, window_params = [{transform_indices = @transform_0, window_bounds = array<i64: 1024, 32>}, {pipeline_mode = #tpu.pipeline_mode<synchronous>, transform_indices = @transform_1, window_bounds = array<i64: 8192, 32>}, {transform_indices = @transform_2, window_bounds = array<i64: 1, 1024>}, {pipeline_mode = #tpu.pipeline_mode<synchronous>, transform_indices = @transform_3, window_bounds = array<i64: 8192, 1>}, {transform_indices = @transform_4, window_bounds = array<i64: 1, 1, 1024>}, {pipeline_mode = #tpu.pipeline_mode<synchronous>, transform_indices = @transform_5, window_bounds = array<i64: 1, 1>}]} {
    %get3A = arith.constant 0 : index
    %get3A_0 = arith.constant 0 : index
    %get3A_1 = vector.load %arg1[%get3A, %get3A_0] : memref<1024x32xf32, #tpu.memory_space<vmem>>, vector<1024x32xf32>
    %convert_element_type3A = arith.truncf %get3A_1 : vector<1024x32xf32> to vector<1024x32xbf16>
    %get3A_2 = arith.constant 0 : index
    %get3A_3 = arith.constant 0 : index
    %get3A_4 = vector.load %arg2[%get3A_2, %get3A_3] : memref<8192x32xf32, #tpu.memory_space<vmem>>, vector<8192x32xf32>
    %dot_general3A = arith.constant dense<0.000000e+00> : vector<8192x1024xf32>
    %dot_general3A_5 = tpu.matmul %get3A_4, %convert_element_type3A, %dot_general3A {dimension_numbers = #tpu.dot_dimension_numbers<[1], [1], [0], [0], [0, 0, 1, 0], [], []>, transpose_lhs_hint = false} : vector<8192x32xf32>, vector<1024x32xbf16>, vector<8192x1024xf32> -> vector<8192x1024xf32>
    %get3A_6 = arith.constant 0 : index
    %get3A_7 = arith.constant 0 : index
    %get3A_8 = vector.load %arg3[%get3A_6, %get3A_7] : memref<1x1024xf32, #tpu.memory_space<vmem>>, vector<1x1024xf32>
    %get3A_9 = arith.constant 0 : index
    %get3A_10 = arith.constant 0 : index
    %get3A_11 = vector.load %arg4[%get3A_9, %get3A_10] : memref<8192x1xf32, #tpu.memory_space<vmem>>, vector<8192x1xf32>
    %add3A = vector.broadcast %get3A_8 : vector<1x1024xf32> to vector<8192x1024xf32>
    %add3A_12 = vector.broadcast %get3A_11 : vector<8192x1xf32> to vector<8192x1024xf32>
    %add3A_13 = arith.addf %add3A, %add3A_12 : vector<8192x1024xf32>
    %mul3A = arith.constant 2.000000e+00 : f32
    %mul3A_14 = vector.broadcast %mul3A : f32 to vector<8192x1024xf32>
    %mul3A_15 = arith.mulf %mul3A_14, %dot_general3A_5 : vector<8192x1024xf32>
    %sub3A = arith.subf %add3A_13, %mul3A_15 : vector<8192x1024xf32>
    %max3A = arith.constant 0.000000e+00 : f32
    %max3A_16 = vector.broadcast %max3A : f32 to vector<8192x1024xf32>
    %max3A_17 = arith.maximumf %sub3A, %max3A_16 : vector<8192x1024xf32>
    %eq3A = arith.constant 0.000000e+00 : f32
    %eq3A_18 = vector.broadcast %eq3A : f32 to vector<8192x1024xf32>
    %eq3A_19 = arith.cmpf oeq, %max3A_17, %eq3A_18 : vector<8192x1024xf32>
    %rsqrt3A = math.rsqrt %max3A_17 : vector<8192x1024xf32>
    %mul3A_20 = arith.mulf %max3A_17, %rsqrt3A : vector<8192x1024xf32>
    %select_n3A = arith.select %eq3A_19, %max3A_17, %mul3A_20 : vector<8192x1024xi1>, vector<8192x1024xf32>
    %slice3A = vector.extract_strided_slice %select_n3A {offsets = [0, 0], sizes = [4096, 1024], strides = [1, 1]} : vector<8192x1024xf32> to vector<4096x1024xf32>
    %reduce_min3A = arith.constant dense<0x7F800000> : vector<1024xf32>
    %reduce_min3A_21 = vector.multi_reduction <minimumf>, %slice3A, %reduce_min3A [0] : vector<4096x1024xf32> to vector<1024xf32>
    %iota3A = tpu.iota {dimensions = array<i32: 0>} : vector<4096x1024xi32>
    %add3A_22 = arith.constant 0 : i32
    %add3A_23 = vector.broadcast %add3A_22 : i32 to vector<4096x1024xi32>
    %add3A_24 = arith.addi %iota3A, %add3A_23 : vector<4096x1024xi32>
    %broadcast_in_dim3A = vector.shape_cast %reduce_min3A_21 : vector<1024xf32> to vector<1x1024xf32>
    %eq3A_25 = vector.broadcast %broadcast_in_dim3A : vector<1x1024xf32> to vector<4096x1024xf32>
    %eq3A_26 = arith.cmpf oeq, %slice3A, %eq3A_25 : vector<4096x1024xf32>
    %jit3A = arith.constant 8192 : i32
    %broadcast_in_dim3A_27 = vector.broadcast %jit3A : i32 to vector<4096x1024xi32>
    %select_n3A_28 = arith.select %eq3A_26, %add3A_24, %broadcast_in_dim3A_27 : vector<4096x1024xi1>, vector<4096x1024xi32>
    %reduce_min3A_29 = arith.constant dense<2147483647> : vector<1024xi32>
    %reduce_min3A_30 = vector.multi_reduction <minsi>, %select_n3A_28, %reduce_min3A_29 [0] : vector<4096x1024xi32> to vector<1024xi32>
    %convert_element_type3A_31 = arith.truncf %reduce_min3A_21 : vector<1024xf32> to vector<1024xbf16>
    %convert_element_type3A_32 = arith.extf %convert_element_type3A_31 : vector<1024xbf16> to vector<1024xf32>
    %slice3A_33 = vector.extract_strided_slice %select_n3A {offsets = [4096, 0], sizes = [4096, 1024], strides = [1, 1]} : vector<8192x1024xf32> to vector<4096x1024xf32>
    %reduce_min3A_34 = arith.constant dense<0x7F800000> : vector<1024xf32>
    %reduce_min3A_35 = vector.multi_reduction <minimumf>, %slice3A_33, %reduce_min3A_34 [0] : vector<4096x1024xf32> to vector<1024xf32>
    %iota3A_36 = tpu.iota {dimensions = array<i32: 0>} : vector<4096x1024xi32>
    %add3A_37 = arith.constant 4096 : i32
    %add3A_38 = vector.broadcast %add3A_37 : i32 to vector<4096x1024xi32>
    %add3A_39 = arith.addi %iota3A_36, %add3A_38 : vector<4096x1024xi32>
    %broadcast_in_dim3A_40 = vector.shape_cast %reduce_min3A_35 : vector<1024xf32> to vector<1x1024xf32>
    %eq3A_41 = vector.broadcast %broadcast_in_dim3A_40 : vector<1x1024xf32> to vector<4096x1024xf32>
    %eq3A_42 = arith.cmpf oeq, %slice3A_33, %eq3A_41 : vector<4096x1024xf32>
    %jit3A_43 = arith.constant 8192 : i32
    %broadcast_in_dim3A_44 = vector.broadcast %jit3A_43 : i32 to vector<4096x1024xi32>
    %select_n3A_45 = arith.select %eq3A_42, %add3A_39, %broadcast_in_dim3A_44 : vector<4096x1024xi1>, vector<4096x1024xi32>
    %reduce_min3A_46 = arith.constant dense<2147483647> : vector<1024xi32>
    %reduce_min3A_47 = vector.multi_reduction <minsi>, %select_n3A_45, %reduce_min3A_46 [0] : vector<4096x1024xi32> to vector<1024xi32>
    %le3A = arith.cmpf ole, %convert_element_type3A_32, %reduce_min3A_35 : vector<1024xf32>
    %select_n3A_48 = arith.select %le3A, %reduce_min3A_21, %reduce_min3A_35 : vector<1024xi1>, vector<1024xf32>
    %select_n3A_49 = arith.select %le3A, %reduce_min3A_30, %reduce_min3A_47 : vector<1024xi1>, vector<1024xi32>
    %reshape3A = vector.shape_cast %select_n3A_48 : vector<1024xf32> to vector<1x1024xf32>
    %reshape3A_50 = vector.shape_cast %select_n3A_49 : vector<1024xi32> to vector<1x1x1024xi32>
    %swap3A = arith.constant 0 : index
    %swap3A_51 = arith.constant 0 : index
    %swap3A_52 = arith.constant 0 : index
    %swap3A_53 = vector.load %arg5[%swap3A, %swap3A_51, %swap3A_52] : memref<1x1x1024xi32, #tpu.memory_space<vmem>>, vector<1x1x1024xi32>
    tpu.vector_store %arg5[%swap3A, %swap3A_51, %swap3A_52], %reshape3A_50 {strides = array<i32>} : memref<1x1x1024xi32, #tpu.memory_space<vmem>>, vector<1x1x1024xi32>,
    %eq3A_54 = arith.constant 0 : i32
    %eq3A_55 = arith.cmpi eq, %arg0, %eq3A_54 : i32
    %convert_element_type3A_56 = arith.extui %eq3A_55 : i1 to i32
    %cond3A = arith.constant 0 : i32
    %cond3A_57 = arith.cmpi ne, %convert_element_type3A_56, %cond3A : i32
    scf.if %cond3A_57 {
      %broadcast_in_dim3A_71 = arith.constant 0.000000e+00 : f32
      %broadcast_in_dim3A_72 = vector.broadcast %broadcast_in_dim3A_71 : f32 to vector<1x1xf32>
      %swap3A_73 = arith.constant 0 : index
      %swap3A_74 = arith.constant 0 : index
      %swap3A_75 = vector.load %arg6[%swap3A_73, %swap3A_74] : memref<1x1xf32, #tpu.memory_space<vmem>>, vector<1x1xf32>
      tpu.vector_store %arg6[%swap3A_73, %swap3A_74], %broadcast_in_dim3A_72 {strides = array<i32>} : memref<1x1xf32, #tpu.memory_space<vmem>>, vector<1x1xf32>,
    } else {
    }
    %get3A_58 = arith.constant 0 : index
    %get3A_59 = arith.constant 0 : index
    %get3A_60 = vector.load %arg6[%get3A_58, %get3A_59] : memref<1x1xf32, #tpu.memory_space<vmem>>, vector<1x1xf32>
    %mul3A_61 = arith.mulf %reshape3A, %reshape3A : vector<1x1024xf32>
    %reduce_sum3A = vector.shape_cast %mul3A_61 : vector<1x1024xf32> to vector<1x1x1024xf32>
    %reduce_sum3A_62 = arith.constant dense<0.000000e+00> : vector<1xf32>
    %reduce_sum3A_63 = vector.multi_reduction <add>, %reduce_sum3A, %reduce_sum3A_62 [1, 2] : vector<1x1x1024xf32> to vector<1xf32>
    %reduce_sum3A_64 = vector.shape_cast %reduce_sum3A_63 : vector<1xf32> to vector<1x1x1xf32>
    %reduce_sum3A_65 = vector.extract %reduce_sum3A_64[0, 0, 0] : f32 from vector<1x1x1xf32>
    %reshape3A_66 = vector.broadcast %reduce_sum3A_65 : f32 to vector<1x1xf32>
    %add3A_67 = arith.addf %get3A_60, %reshape3A_66 : vector<1x1xf32>
    %swap3A_68 = arith.constant 0 : index
    %swap3A_69 = arith.constant 0 : index
    %swap3A_70 = vector.load %arg6[%swap3A_68, %swap3A_69] : memref<1x1xf32, #tpu.memory_space<vmem>>, vector<1x1xf32>
    tpu.vector_store %arg6[%swap3A_68, %swap3A_69], %add3A_67 {strides = array<i32>} : memref<1x1xf32, #tpu.memory_space<vmem>>, vector<1x1xf32>,
    return
  }
  func.func @transform_0(%arg0: i32) -> (i32, i32) {
    %c0_i32 = arith.constant 0 : i32
    %c0_i32_0 = arith.constant 0 : i32
    return %arg0, %c0_i32 : i32, i32
  }
  func.func @transform_1(%arg0: i32) -> (i32, i32) {
    %c0_i32 = arith.constant 0 : i32
    %c0_i32_0 = arith.constant 0 : i32
    %c0_i32_1 = arith.constant 0 : i32
    return %c0_i32, %c0_i32_0 : i32, i32
  }
  func.func @transform_2(%arg0: i32) -> (i32, i32) {
    %c0_i32 = arith.constant 0 : i32
    %c0_i32_0 = arith.constant 0 : i32
    return %c0_i32, %arg0 : i32, i32
  }
  func.func @transform_3(%arg0: i32) -> (i32, i32) {
    %c0_i32 = arith.constant 0 : i32
    %c0_i32_0 = arith.constant 0 : i32
    %c0_i32_1 = arith.constant 0 : i32
    return %c0_i32, %c0_i32_0 : i32, i32
  }
  func.func @transform_4(%arg0: i32) -> (i32, i32, i32) {
    %c0_i32 = arith.constant 0 : i32
    %c0_i32_0 = arith.constant 0 : i32
    %c0_i32_1 = arith.constant 0 : i32
    return %arg0, %c0_i32, %c0_i32_0 : i32, i32, i32
  }
  func.func @transform_5(%arg0: i32) -> (i32, i32) {
    %c0_i32 = arith.constant 0 : i32
    %c0_i32_0 = arith.constant 0 : i32
    %c0_i32_1 = arith.constant 0 : i32
    return %c0_i32, %c0_i32_0 : i32, i32
  }
}

</mosaic_0001>

<sc_bundles>
// kernel: kernel.4.cloned.1.call-start
scs
__scs_entry_jumppad:
0x0: {  	(pc) =	sbr.rel $0x88, $3  }
0x1: {  	(tag) =	ssettag $0x0;
	lr =	simm.s32 $0x1  }
0x2: {  	[smem:$0x3F9F] =	sst lr;
	_ =	strace $0xD0000000  }
0x3: {  	_ = 	snop  }
0x4: {  	_ = 	snop  }
0x5: {  	_ = 	snop  }
0x6: {  	_ = 	snop  }
0x7: {  	_ = 	snop  }
__scs_overlays_trampoline_lowered:
0x8: {  	[smem:$0x3FAE] =	sst s0  }
0x9: {  	[smem:$0x3FAF] =	sst s1  }
0xa: {  	[smem:$0x3FB0] =	sst s2  }
0xb: {  	[smem:$0x3FB1] =	sst s3  }
0xc: {  	[smem:$0x3FB2] =	sst s4  }
0xd: {  	[smem:$0x3FB3] =	sst s5  }
0xe: {  	[smem:$0x3FB4] =	sst s6  }
0xf: {  	[smem:$0x3FB5] =	sst s7  }
0x10: {  	[smem:$0x3FB6] =	sst s8  }
0x11: {  	[smem:$0x3FB7] =	sst s9;
	s0 =	simm.s32 @!p0 $0x0  }
0x12: {  	s1 =	sld [smem:$0x3F9D];
	s0 =	simm.s32 @p0 $0x1  }
0x13: {  	[smem:$0x3FB8] =	sst s0;
	s0 =	simm.s32 @!p1 $0x0  }
0x14: {  	s2 =	sld [smem:$0x3F9C];
	s0 =	simm.s32 @p1 $0x1  }
0x15: {  	[smem:$0x3FB9] =	sst s0;
	s0 =	simm.s32 @!p2 $0x0  }
0x16: {  	s3 =	sld [smem:$0x3FDB];
	s0 =	simm.s32 @p2 $0x1  }
0x17: {  	s4 =	simm.s32 $0x1BF5;
	[smem:$0x3FBB] =	sst s0  }
0x18: {  	s0 =	sld [smem:$0x3F9E];
	_ =	swait.ge [sflag:s4], $0x0  }
0x19: {  	s7 =	sld [smem:$0x3F9F]  }
0x1a: {  	s8 =	sadd.s32 $0xFFFFE003, lr  }
0x1b: {  	s9 =	sadd.s32 $0xFFFFFEF7, lr;
	s5 =	simm.s32 $0xFFFFFFFF;
	p2 =	slt.u32 s8, $0xFFFFF086  }
0x1c: {  	p1 =	slt.u32 s9, $0xF7A;
	s5 =	simm.s32 @!p2 $0x0  }
0x1d: {  	s5 =	simm.s32 @p1 $0x1;
	p0 =	seq.s32 s7, s2  }
0x1e: {  	s7 =	smul.u32 @!p0 $0xF7A, s2;
	p2 =	seq.s32 @!p0 s5, $0x0  }
0x1f: {  	s9 =	smul.u32 $0xF7A, s1;
	s8 =	simm.s32 @!p0 $0x1BF5;
	p2 =	por !p2, p0  }
0x20: {  	[sflag:s8] =	ssyncset.s32 @!p0 $0xFFFFF086;
	s6 =	sadd.s32 @!p0 s3, s7;
	s7 =	simm.s32 @!p0 $0x108  }
0x21: {  	s3 =	sadd.s32 s3, s9;
	s6 =	sadd.s32 @!p0 $0x88, s6;
	s7 =	simm.s32 @p2 $0x1082  }
0x22: {  	[simem:s7], [sflag:s8] =	dma.local @!p0 [hbm:s6], $0xF7A  }
0x23: {  	s9 =	sor.u32 $0xD0000000, s2;
	s6 =	simm.s32 $0x108;
	_ =	swait.ge @!p0 [sflag:s8], $0x0  }
0x24: {  	s3 =	sadd.s32 $0x88, s3;
	s6 =	simm.s32 @!p1 $0x1082;
	[sflag:s4] =	ssyncset.s32 $0xFFFFF086  }
0x25: {  	[simem:s6], [sflag:s4] =	dma.local [hbm:s3], $0xF7A  }
0x26: {  	[smem:$0x3F9F] =	sst s1;
	(tag) =	ssettag s2;
	_ =	strace s9  }
0x27: {  	s1 =	sld [smem:$0x3FAF]  }
0x28: {  	s2 =	sld [smem:$0x3FB0]  }
0x29: {  	s4 =	sld [smem:$0x3FB2]  }
0x2a: {  	p0 =	seq.s32 s5, $0x0;
	s5 =	sld [smem:$0x3FB3]  }
0x2b: {  	s6 =	sld [smem:$0x3FB4]  }
0x2c: {  	s7 =	sld [smem:$0x3FB5]  }
0x2d: {  	s3 =	simm.s32 $0x108;
	s8 =	sld [smem:$0x3FB6]  }
0x2e: {  	s3 =	simm.s32 @!p0 $0x1082;
	s9 =	sld [smem:$0x3FB7]  }
0x2f: {  	lr =	sadd.s32 s0, s3;
	s0 =	sld [smem:$0x3FAE]  }
0x30: {  	s3 =	sld [smem:$0x3FB1]  }
0x31: {  	[smem:$0x3FBA] =	sst s10  }
0x32: {  	s10 =	sld [smem:$0x3FB8];
	_ =	sdelay $0x3  }
0x33: {  	p0 =	seq.s32 s10, $0x1;
	s10 =	sld [smem:$0x3FBA];
	_ =	sdelay $0x3  }
0x34: {  	[smem:$0x3FBA] =	sst s10  }
0x35: {  	s10 =	sld [smem:$0x3FB9];
	_ =	sdelay $0x3  }
0x36: {  	p1 =	seq.s32 s10, $0x1;
	s10 =	sld [smem:$0x3FBA];
	_ =	sdelay $0x3  }
0x37: {  	[smem:$0x3FBA] =	sst s10  }
0x38: {  	s10 =	sld [smem:$0x3FBB]  }
0x39: {  	_ = 	snop;
	(pc) =	sbr.ind lr, $3  }
0x3a: {  	_ = 	snop  }
0x3b: {  	_ = 	snop  }
0x3c: {  	p2 =	seq.s32 s10, $0x1;
	s10 =	sld [smem:$0x3FBA]  }
0x3d: {  	_ =	shalt  }
0x3e: {  	_ =	shalt  }
0x3f: {  	_ =	shalt  }
0x40: {  	_ =	shalt  }
0x41: {  	_ =	shalt  }
0x42: {  	_ =	shalt  }
0x43: {  	_ =	shalt  }
0x44: {  	_ =	shalt  }
0x45: {  	_ =	shalt  }
0x46: {  	_ =	shalt  }
0x47: {  	_ =	shalt  }
0x48: {  	_ =	shalt  }
0x49: {  	_ =	shalt  }
0x4a: {  	_ =	shalt  }
0x4b: {  	_ =	shalt  }
0x4c: {  	_ =	shalt  }
0x4d: {  	_ =	shalt  }
0x4e: {  	_ =	shalt  }
0x4f: {  	_ =	shalt  }
0x50: {  	_ =	shalt  }
0x51: {  	_ =	shalt  }
0x52: {  	_ =	shalt  }
0x53: {  	_ =	shalt  }
0x54: {  	_ =	shalt  }
0x55: {  	_ =	shalt  }
0x56: {  	_ =	shalt  }
0x57: {  	_ =	shalt  }
0x58: {  	_ =	shalt  }
0x59: {  	_ =	shalt  }
0x5a: {  	_ =	shalt  }
0x5b: {  	_ =	shalt  }
0x5c: {  	_ =	shalt  }
0x5d: {  	_ =	shalt  }
0x5e: {  	_ =	shalt  }
0x5f: {  	_ =	shalt  }
0x60: {  	_ =	shalt  }
0x61: {  	_ =	shalt  }
0x62: {  	_ =	shalt  }
0x63: {  	_ =	shalt  }
0x64: {  	_ =	shalt  }
0x65: {  	_ =	shalt  }
0x66: {  	_ =	shalt  }
0x67: {  	_ =	shalt  }
0x68: {  	_ =	shalt  }
0x69: {  	_ =	shalt  }
0x6a: {  	_ =	shalt  }
0x6b: {  	_ =	shalt  }
0x6c: {  	_ =	shalt  }
0x6d: {  	_ =	shalt  }
0x6e: {  	_ =	shalt  }
0x6f: {  	_ =	shalt  }
0x70: {  	_ =	shalt  }
0x71: {  	_ =	shalt  }
0x72: {  	_ =	shalt  }
0x73: {  	_ =	shalt  }
0x74: {  	_ =	shalt  }
0x75: {  	_ =	shalt  }
0x76: {  	_ =	shalt  }
0x77: {  	_ =	shalt  }
0x78: {  	_ =	shalt  }
0x79: {  	_ =	shalt  }
0x7a: {  	_ =	shalt  }
0x7b: {  	_ =	shalt  }
0x7c: {  	_ =	shalt  }
0x7d: {  	_ =	shalt  }
0x7e: {  	_ =	shalt  }
0x7f: {  	_ =	shalt  }
0x80: {  	_ =	shalt  }
0x81: {  	_ =	shalt  }
0x82: {  	_ =	shalt  }
0x83: {  	_ =	shalt  }
0x84: {  	_ =	shalt  }
0x85: {  	_ =	shalt  }
0x86: {  	_ =	shalt  }
0x87: {  	_ =	shalt  }
.Lfunc_end0:
.L_simem_size_0:
called_computation_lowered:
.L_overlay_start_0:
0x88: {  	s2 =	sld [smem:$0x3FD9]  }
0x89: {  	s3 =	sld [smem:$0x3FFE];
	_ =	sdelay $0x1  }
0x8a: {  	s1 =	srdreg.scid  }
0x8b: {  	s0 =	sand.u32 $0x1, s1  }
0x8c: {  	s14 =	sshll.u32 s0, $0xA;
	s2 =	sadd.s32 s3, s2  }
0x8d: {  	s2 =	sadd.s32 s2, s14  }
0x8e: {  	[smem:$0x3FC6] =	sst s2  }
0x8f: {  	_ = 	snop  }
0x90: {  	s2 =	sld [smem:$0x3FD0];
	_ =	sdelay $0x2  }
0x91: {  	s15 =	simm.s32 $0xA;
	s4 =	simm.s32 $0x10  }
0x92: {  	[smem:s4], [sflag:s15] =	dma.local [hbm:s2], $0x1  }
0x93: {  	_ =	swait.eq [sflag:s15], $0x1  }
0x94: {  	[sflag:s15] =	ssyncset.done $0x0  }
0x95: {  	[sflag:s15] =	ssyncadd.s32 $0xFFFFFFFF  }
0x96: {  	s16 =	sld [smem:$0x10];
	(tm) =	ssettm $0x1  }
0x97: {  	s17 =	sld [smem:$0x3FFB];
	_ =	sdelay $0x3  }
0x98: {  	_ =	strace s17  }
0x99: {  	s3 =	sld [smem:$0x3FFC];
	_ =	sdelay $0x3  }
0x9a: {  	_ =	strace s3  }
0x9b: {  	s3 =	sld [smem:$0x3FFD];
	_ =	sdelay $0x3  }
0x9c: {  	_ =	strace s3  }
0x9d: {  	_ =	strace $0x8FFFFFFF  }
0x9e: {  	s18 =	sld [smem:$0x3FDB];
	_ =	sdelay $0x1  }
0x9f: {  	s19 =	simm.s32 $_scs_section_size  }
0xa0: {  	s5 =	simm.s32 $_size__tile_overlayer_lowered;
	s6 =	simm.s32 $_tile_overlayer_lowered  }
0xa1: {  	s22 =	simm.s32 $0x1BFF;
	s21 =	sshll.u32 s6, $0x1;
	s3 =	sadd.s32 s19, s18  }
0xa2: {  	s7 =	simm.s32 $0x0;
	s20 =	sshll.u32 s5, $0x1;
	s5 =	sadd.s32 s21, s3  }
0xa3: {  	[timem:s7], [sflag:s22] =	dma.local [hbm:s5], s20  }
0xa4: {  	_ =	swait.ge [sflag:s22], s20  }
0xa5: {  	s4 =	ssub.s32 $0x0, s20;
	[sflag:s22] =	ssyncset.done $0x0  }
0xa6: {  	[sflag:s22] =	ssyncadd.s32 s4;
	_ =	sdelay $0x1  }
0xa7: {  	s23 =	simm.s32 $0x1B8B  }
0xa8: {  	_ =	swait.ge [sflag:s23], $0x1  }
0xa9: {  	[sflag:s23] =	ssyncset.done $0x0  }
0xaa: {  	s25 =	simm.s32 $0x1B8E;
	s24 =	sld [smem:$0x3FFE];
	[sflag:s23] =	ssyncadd.s32 $0xFFFFFFFF  }
0xab: {  	s26 =	simm.s32 $execute0_lowered;
	[smem:$0x3FD2] =	sst s25  }
0xac: {  	s5 =	sshll.u32 s26, $0x1;
	_ =	strace $0x80000046;
	[dreg:$0x1] =	wrdreg $0xFFFFFFFF  }
0xad: {  	s28 =	simm.s32 $_size_execute0_lowered;
	s3 =	sadd.s32 s3, s5;
	[dreg:$0x0] =	wrdreg $0x0  }
0xae: {  	s5 =	sshll.u32 s28, $0x1;
	[dreg:$0x2] =	wrdreg s3  }
0xaf: {  	[dreg:$0x3] =	wrdreg s5  }
0xb0: {  	[dreg:$0x4] =	wrdreg $0xC0  }
0xb1: {  	_ =	task [dreg:s7], $0x5FFFF  }
0xb2: {  	[dreg:$0x1] =	wrdreg $0xFFFFFFFF  }
0xb3: {  	[dreg:$0x0] =	wrdreg $0x60  }
0xb4: {  	[dreg:$0x2] =	wrdreg s24  }
0xb5: {  	[dreg:$0x3] =	wrdreg s16  }
0xb6: {  	[dreg:$0x4] =	wrdreg $0x9  }
0xb7: {  	_ =	task.clear_ibuf [dreg:s7], $0x5FFFF;
	_ =	strace $0x90000046  }
0xb8: {  	s29 =	simm.s32 $0x9;
	_ =	strace $0x80000048  }
0xb9: {  	_ =	swait.ge [sflag:s29], $0x1  }
0xba: {  	[sflag:s29] =	ssyncadd.s32 $0xFFFFFFFF  }
0xbb: {  	_ =	strace $0x90000048  }
0xbc: {  	_ =	sfence  }
0xbd: {  	s30 =	sld [smem:$0x0];
	_ =	sdelay $0x2  }
0xbe: {  	s31 =	sshll.u32 s1, $0xD;
	s1 =	sshrl.u32 s1, $0x2  }
0xbf: {  	s3 =	sand.u32 $0x4000, s31;
	s1 =	sadd.s32 s1, s30  }
0xc0: {  	s0 =	sor.u32 s3, s0;
	s1 =	sshll.u32 s1, $0x11  }
0xc1: {  	s0 =	sor.u32 s1, s0  }
0xc2: {  	s0 =	sadd.s32 $0x8F2B, s0  }
0xc3: {  	[sflag:s0] =	ssyncadd.remote.s32 $0x1  }
0xc4: {  	_ =	sfence.sel $0xFFFF  }
0xc5: {  	[dreg:$0x0] =	wrdreg $0xFFFFFFFF;
	(pc) =	sbr.abs _section_cstart, $3  }
0xc6: {  	[dreg:$0x1] =	wrdreg $0xFFFFFFFF  }
0xc7: {  	_ =	task.clear_ibuf [dreg:s7], $0x2FFFF;
	_ =	strace $0x9FFFFFFF  }
0xc8: {  	(tm) =	ssettm $0x7FFFFFFF  }
0xc9: {  	_ =	shalt  }
tec
execute0_lowered:
.L_overlay_start_1:
0x0: {  	(tag) =	ssettag $0x1  }
0x1: {  	s1 =	srdreg.scid  }
0x2: {  	s0 =	stileid.u32;
	s16 =	sand.u32 $0x1, s1  }
0x3: {  	s2 =	rddreg [dreg:$0x0];
	s31 =	sshll.u32 s0, $0xA;
	s3 =	sshll.u32 s16, $0x9  }
0x4: {  	s14 =	rddreg [dreg:$0x1];
	s15 =	sor.u32 s3, s31  }
0x5: {  	s1 =	rddreg [dreg:$0x2];
	s3 =	simm.s32 $0x0;
	s4 =	sshrl.u32 s15, $0x3  }
0x6: {  	[smem:$0x7FF] =	sst s3;
	s4 =	sadd.s32 s4, s2  }
0x7: {  	_ =	strace $0x80000047;
	s5 =	sadd.s32 $0x8000, s4;
	s4 =	simm.s32 $0x2  }
0x8: {  	[tilespmem:s3], [sflag:$0x2] =	stream.linear.gather [hbm4b:s5+s3], $0x200, $0x38;
	[tilespmem:$0x4200] =	vst v63  }
0x9: {  	_ =	swait.ge [sflag:s4], $0x200  }
0xa: {  	[sflag:s4] =	ssyncset.done $0x0  }
0xb: {  	s6 =	simm.s32 $0x80;
	s7 =	simm.s32 $0x200;
	[sflag:s4] =	ssyncadd.s32 $0xFFFFFE00  }
0xc: {  	[tilespmem:s7], [sflag:$0x1] =	stream.indirect.gather [hbm4b:s2+s6], $0x20, s3, s6, $0xb8;
	[tilespmem:$0x4200] =	vst v63  }
0xd: {  	s8 =	simm.s32 $0x1200  }
0xe: {  	[tilespmem:s8], [sflag:$0x1] =	stream.indirect.gather [hbm4b:s2+s6], $0x20, s6, s6, $0xb8;
	[tilespmem:$0x4200] =	vst v63  }
0xf: {  	s9 =	simm.s32 $0x100;
	s10 =	simm.s32 $0x2200  }
0x10: {  	[tilespmem:s10], [sflag:$0x1] =	stream.indirect.gather [hbm4b:s2+s6], $0x20, s9, s6, $0xb8;
	[tilespmem:$0x4200] =	vst v63  }
0x11: {  	s11 =	simm.s32 $0x180;
	s12 =	simm.s32 $0x3200;
	s13 =	simm.s32 $0x1  }
0x12: {  	[tilespmem:s12], [sflag:$0x1] =	stream.indirect.gather [hbm4b:s2+s6], $0x20, s11, s6, $0xb8;
	[tilespmem:$0x4200] =	vst v63  }
0x13: {  	_ =	swait.ge [sflag:s13], $0x1000  }
0x14: {  	[sflag:s13] =	ssyncset.done $0x0  }
0x15: {  	[sflag:s13] =	ssyncadd.s32 $0xFFFFF000  }
0x16: {  	_ =	swait.ge [sflag:s13], $0x1000  }
0x17: {  	[sflag:s13] =	ssyncset.done $0x0  }
0x18: {  	[sflag:s13] =	ssyncadd.s32 $0xFFFFF000  }
0x19: {  	_ =	swait.ge [sflag:s13], $0x1000  }
0x1a: {  	[sflag:s13] =	ssyncset.done $0x0  }
0x1b: {  	[sflag:s13] =	ssyncadd.s32 $0xFFFFF000  }
0x1c: {  	_ =	swait.ge [sflag:s13], $0x1000  }
0x1d: {  	s15 =	sshll.u32 s15, $0x2;
	[sflag:s13] =	ssyncset.done $0x0  }
0x1e: {  	s14 =	sadd.s32 s14, s15;
	[sflag:s13] =	ssyncadd.s32 $0xFFFFF000  }
0x1f: {  	[hbm4b:s14+s3] =	stream.linear.scatter [tilespmem:s7], [sflag:$0x2], $0x1000, $0x38;
	[tilespmem:$0x4200] =	vst v63  }
0x20: {  	_ =	swait.ge [sflag:s4], $0x1000  }
0x21: {  	[sflag:s4] =	ssyncset.done $0x0  }
0x22: {  	s17 =	ssub.s32 $0x2, s16;
	s15 =	sadd.s32 $0x200, s14;
	[sflag:s4] =	ssyncadd.s32 $0xFFFFF000  }
0x23: {  	[hbm4b:s15+s3] =	stream.linear.scatter [tilespmem:s8], [sflag:$0x2], $0x1000, $0x38;
	[tilespmem:$0x4200] =	vst v63  }
0x24: {  	s18 =	sshrl.u32 s17, $0x1;
	_ =	swait.ge [sflag:s4], $0x1000  }
0x25: {  	s18 =	ssub.s32 s17, s18;
	[sflag:s4] =	ssyncset.done $0x0  }
0x26: {  	s18 =	smax.u32 s18, $0x1;
	s16 =	sadd.s32 $0x400, s14;
	[sflag:s4] =	ssyncadd.s32 $0xFFFFF000  }
0x27: {  	[hbm4b:s16+s3] =	stream.linear.scatter [tilespmem:s10], [sflag:$0x2], $0x1000, $0x38;
	[tilespmem:$0x4200] =	vst v63  }
0x28: {  	p0 =	sne.s32 s18, $0x1;
	_ =	swait.ge [sflag:s4], $0x1000  }
.Ltmp0:
0x29: {  	[sflag:s4] =	ssyncset.done $0x0;
	(pc) =	sbr.rel @!p0 .LBB2_2-.Ltmp0, $4  }
0x2a: {  	s17 =	sadd.s32 $0x600, s14;
	[sflag:s4] =	ssyncadd.s32 $0xFFFFF000  }
0x2b: {  	[hbm4b:s17+s3] =	stream.linear.scatter [tilespmem:s12], [sflag:$0x2], $0x1000, $0x38;
	[tilespmem:$0x4200] =	vst v63  }
0x2c: {  	_ =	swait.ge [sflag:s4], $0x1000  }
0x2d: {  	s18 =	sadd.s32 $0xFFFFFFFF, s18;
	[sflag:s4] =	ssyncset.done $0x0  }
.LBB2_1:
0x2e: {  	p0 =	sne.s32 s18, $0x1;
	s18 =	sadd.s32 $0xFFFFFFFF, s18;
	[sflag:s4] =	ssyncadd.s32 $0xFFFFF000  }
0x2f: {  	[tilespmem:s3], [sflag:$0x2] =	stream.linear.gather [hbm4b:s5+s3], $0x200, $0x38;
	[tilespmem:$0x4200] =	vst v63  }
0x30: {  	_ =	swait.ge [sflag:s4], $0x200  }
0x31: {  	[sflag:s4] =	ssyncset.done $0x0  }
0x32: {  	[sflag:s4] =	ssyncadd.s32 $0xFFFFFE00  }
0x33: {  	[tilespmem:s7], [sflag:$0x1] =	stream.indirect.gather [hbm4b:s2+s6], $0x20, s3, s6, $0xb8;
	[tilespmem:$0x4200] =	vst v63  }
0x34: {  	_ = 	snop  }
0x35: {  	[tilespmem:s8], [sflag:$0x1] =	stream.indirect.gather [hbm4b:s2+s6], $0x20, s6, s6, $0xb8;
	[tilespmem:$0x4200] =	vst v63  }
0x36: {  	_ = 	snop  }
0x37: {  	[tilespmem:s10], [sflag:$0x1] =	stream.indirect.gather [hbm4b:s2+s6], $0x20, s9, s6, $0xb8;
	[tilespmem:$0x4200] =	vst v63  }
0x38: {  	_ = 	snop  }
0x39: {  	[tilespmem:s12], [sflag:$0x1] =	stream.indirect.gather [hbm4b:s2+s6], $0x20, s11, s6, $0xb8;
	[tilespmem:$0x4200] =	vst v63  }
0x3a: {  	_ =	swait.ge [sflag:s13], $0x1000  }
0x3b: {  	[sflag:s13] =	ssyncset.done $0x0  }
0x3c: {  	[sflag:s13] =	ssyncadd.s32 $0xFFFFF000  }
0x3d: {  	_ =	swait.ge [sflag:s13], $0x1000  }
0x3e: {  	[sflag:s13] =	ssyncset.done $0x0  }
0x3f: {  	[sflag:s13] =	ssyncadd.s32 $0xFFFFF000  }
0x40: {  	_ =	swait.ge [sflag:s13], $0x1000  }
0x41: {  	[sflag:s13] =	ssyncset.done $0x0  }
0x42: {  	[sflag:s13] =	ssyncadd.s32 $0xFFFFF000  }
0x43: {  	_ =	swait.ge [sflag:s13], $0x1000  }
0x44: {  	[sflag:s13] =	ssyncset.done $0x0  }
0x45: {  	[sflag:s13] =	ssyncadd.s32 $0xFFFFF000  }
0x46: {  	[hbm4b:s14+s3] =	stream.linear.scatter [tilespmem:s7], [sflag:$0x2], $0x1000, $0x38;
	[tilespmem:$0x4200] =	vst v63  }
0x47: {  	_ =	swait.ge [sflag:s4], $0x1000  }
0x48: {  	[sflag:s4] =	ssyncset.done $0x0  }
0x49: {  	[sflag:s4] =	ssyncadd.s32 $0xFFFFF000  }
0x4a: {  	[hbm4b:s15+s3] =	stream.linear.scatter [tilespmem:s8], [sflag:$0x2], $0x1000, $0x38;
	[tilespmem:$0x4200] =	vst v63  }
0x4b: {  	_ =	swait.ge [sflag:s4], $0x1000  }
0x4c: {  	[sflag:s4] =	ssyncset.done $0x0  }
0x4d: {  	[sflag:s4] =	ssyncadd.s32 $0xFFFFF000  }
0x4e: {  	[hbm4b:s16+s3] =	stream.linear.scatter [tilespmem:s10], [sflag:$0x2], $0x1000, $0x38;
	[tilespmem:$0x4200] =	vst v63  }
0x4f: {  	_ =	swait.ge [sflag:s4], $0x1000  }
.Ltmp1:
0x50: {  	[sflag:s4] =	ssyncset.done $0x0;
	(pc) =	sbr.rel @p0 .LBB2_1-.Ltmp1, $4  }
0x51: {  	[sflag:s4] =	ssyncadd.s32 $0xFFFFF000  }
0x52: {  	[hbm4b:s17+s3] =	stream.linear.scatter [tilespmem:s12], [sflag:$0x2], $0x1000, $0x38;
	[tilespmem:$0x4200] =	vst v63  }
0x53: {  	_ =	swait.ge [sflag:s4], $0x1000  }
0x54: {  	[sflag:s4] =	ssyncset.done $0x0  }
.LBB2_2:
0x55: {  	[sflag:s4] =	ssyncadd.s32 $0xFFFFF000  }
0x56: {  	_ =	sfence.sel $0x180000  }
0x57: {  	[bflag:$0x0] =	sbarrier.arrive $0xFFFF  }
0x58: {  	p0 =	sne.s32 s0, $0x0;
	_ =	strace $0x90000047  }
0x59: {  	s0 =	sadd.s32 @!p0 $0x100000, s1;
	[bflag:$0x2] =	sbarrier.arrive $0xFFFF  }
0x5a: {  	[sflag:s0] =	ssyncadd.tile.s32 @!p0 $0x1;
	_ =	shalt  }
.Lfunc_end2:
_tile_overlayer_lowered:
.L_overlay_start_2:
0x5b: {  	(tag) =	ssettag $0x2  }
0x5c: {  	s0 =	rddreg [dreg:$0x0];
	s2 =	stileid.u32  }
0x5d: {  	s1 =	rddreg [dreg:$0x1];
	p0 =	sne.s32 s2, $0x0  }
0x5e: {  	s3 =	rddreg [dreg:$0x2];
	[bflag:$0x3] =	sbarrier.arrive $0xFFFF;
	s2 =	simm.s32 @!p0 $0x1C02  }
0x5f: {  	[timem:s3], [sflag:s2] =	dma.local @!p0 [hbm:s0], s1  }
0x60: {  	s0 =	simm.s32 @!p0 $0x2  }
0x61: {  	_ =	swait.ge @!p0 [sflag:s0], s1  }
0x62: {  	s1 =	ssub.s32 @!p0 $0x0, s1;
	[sflag:s0] =	ssyncset.done @!p0 $0x0  }
0x63: {  	[sflag:s0] =	ssyncadd.s32 @!p0 s1  }
0x64: {  	[bflag:$0x3] =	sbarrier.arrive $0xFFFF  }
0x65: {  	_ =	shalt  }

</sc_bundles>
